<compile_context>
chip_gen: v7x
topology: tpu7x:2x2x1
jax: 0.10.2.dev20260603
libtpu: 0.0.44.dev20260713+nightly
codegen_flags: <defaults>
</compile_context>

<pallas_src>
import functools

import jax
import jax.numpy as jnp
from jax import lax
from jax.experimental import pallas as pl
from jax.experimental.pallas import tpu as pltpu
from jax.experimental.pallas import tpu_sc as plsc

B, H, W = 2, 128, 128
HW = H * W
L = (H // 2) * (W // 2)
C1, C2 = 384, 192
_BF = jnp.bfloat16
_F32 = jnp.float32

_T1 = 4096


def _conv_body(sfm_ref, x_ref, w1_ref, w2_ref, b1_ref, b2_ref, rec_ref, ref_ref):
    acc1 = None
    for c in range(C1 // 128):
        sb = sfm_ref[0, pl.ds(c * 128, 128), :].astype(_BF)
        wb = w1_ref[:, pl.ds(c * 128, 128)].astype(_BF)
        p = jax.lax.dot_general(wb, sb, (((1,), (0,)), ((), ())),
                                preferred_element_type=_F32)
        acc1 = p if acc1 is None else acc1 + p
    rec_ref[0] = jnp.maximum(acc1 + b1_ref[0, 0], 0.0)

    xb = x_ref[0].astype(_BF)
    w2b = w2_ref[...].astype(_BF)
    acc2 = jax.lax.dot_general(w2b, xb, (((1,), (0,)), ((), ())),
                               preferred_element_type=_F32)
    ref_ref[0] = jnp.maximum(acc2 + b2_ref[0, 0], 0.0)


def _convs(sfm, x, w1r, w2r, b1, b2):
    grid = (B, HW // _T1)
    return pl.pallas_call(
        _conv_body,
        grid=grid,
        in_specs=[
            pl.BlockSpec((1, C1, _T1), lambda ib, it: (ib, 0, it)),
            pl.BlockSpec((1, C2, _T1), lambda ib, it: (ib, 0, it)),
            pl.BlockSpec((1, C1), lambda ib, it: (0, 0)),
            pl.BlockSpec((1, C2), lambda ib, it: (0, 0)),
            pl.BlockSpec((1, 1), lambda ib, it: (0, 0), memory_space=pltpu.SMEM),
            pl.BlockSpec((1, 1), lambda ib, it: (0, 0), memory_space=pltpu.SMEM),
        ],
        out_specs=[
            pl.BlockSpec((1, 1, _T1), lambda ib, it: (ib, 0, it)),
            pl.BlockSpec((1, 1, _T1), lambda ib, it: (ib, 0, it)),
        ],
        out_shape=[
            jax.ShapeDtypeStruct((B, 1, HW), _F32),
            jax.ShapeDtypeStruct((B, 1, HW), _F32),
        ],
    )(sfm, x, w1r, w2r, b1, b2)


_LT = 1024
_PT = 4096
_NG = HW // 4


def _corr_body(pb_ref, g_ref, idx_ref):
    pb = pb_ref[0]

    def body(c, carry):
        rm, ra = carry
        base = c * _PT
        gm = None
        for ph in range(4):
            gph = g_ref[0, pl.ds(4 * ph, 4), pl.ds(base, _PT)]
            y = jax.lax.dot_general(pb, gph, (((1,), (0,)), ((), ())),
                                    preferred_element_type=_F32)
            gm = y if gm is None else jnp.maximum(gm, y)
        m = jnp.max(gm, axis=1, keepdims=True)
        io = jax.lax.broadcasted_iota(jnp.int32, (_LT, _PT), 1) + base
        cand = jnp.min(jnp.where(gm == m, io, _NG), axis=1, keepdims=True)
        upd = m > rm
        return (jnp.where(upd, m, rm), jnp.where(upd, cand, ra))

    rm0 = jnp.full((_LT, 1), -jnp.inf, _F32)
    ra0 = jnp.zeros((_LT, 1), jnp.int32)
    _, ra = jax.lax.fori_loop(0, _NG // _PT, body, (rm0, ra0))
    idx_ref[0] = ra


def _corr(pb, g):
    grid = (B, L // _LT)
    return pl.pallas_call(
        _corr_body,
        grid=grid,
        in_specs=[
            pl.BlockSpec((1, _LT, 4), lambda ib, il: (ib, il, 0)),
            pl.BlockSpec((1, 16, _NG), lambda ib, il: (ib, 0, 0)),
        ],
        out_specs=pl.BlockSpec((1, _LT, 1), lambda ib, il: (ib, il, 0)),
        out_shape=jax.ShapeDtypeStruct((B, L, 1), jnp.int32),
    )(pb, g)


_DT = 256
_ST = 512


def _gather_body(idx_ref, pg_ref, out_ref):
    idx = idx_ref[0]

    def body(s, acc):
        base = s * _ST
        io = jax.lax.broadcasted_iota(jnp.int32, (_DT, _ST), 1) + base
        oh = io == idx
        cols = []
        for k in range(4):
            pgk = pg_ref[0, k:k + 1, pl.ds(base, _ST)]
            cols.append(jnp.sum(jnp.where(oh, pgk, 0.0), axis=1, keepdims=True))
        return acc + jnp.concatenate(cols, axis=1)

    acc0 = jnp.zeros((_DT, 4), _F32)
    out_ref[0] = jax.lax.fori_loop(0, L // _ST, body, acc0)


def _gather(idx, pg):
    grid = (B, L // _DT)
    return pl.pallas_call(
        _gather_body,
        grid=grid,
        in_specs=[
            pl.BlockSpec((1, _DT, 1), lambda ib, il: (ib, il, 0)),
            pl.BlockSpec((1, 4, L), lambda ib, il: (ib, 0, 0)),
        ],
        out_specs=pl.BlockSpec((1, _DT, 4), lambda ib, il: (ib, il, 0)),
        out_shape=jax.ShapeDtypeStruct((B, L, 4), _F32),
    )(idx, pg)


_NROWS = B * L
_D = 128


def _sc_gather(idx_flat, table):
    info = plsc.get_sparse_core_info()
    nw = info.num_cores * info.num_subcores
    bpw = _NROWS // nw
    mesh = plsc.VectorSubcoreMesh(core_axis_name="c", subcore_axis_name="s")

    @functools.partial(
        pl.kernel, mesh=mesh,
        out_type=jax.ShapeDtypeStruct((_NROWS, _D), _F32),
        scratch_types=[
            pltpu.VMEM((bpw,), jnp.int32),
            pltpu.VMEM((bpw, _D), _F32),
            pltpu.SemaphoreType.DMA,
        ],
    )
    def k(idx_hbm, table_hbm, out_hbm, idx_v, rows_v, sem):
        wid = lax.axis_index("s") * info.num_cores + lax.axis_index("c")
        base = wid * bpw
        pltpu.sync_copy(idx_hbm.at[pl.ds(base, bpw)], idx_v)
        pltpu.async_copy(table_hbm.at[idx_v], rows_v, sem).wait()
        pltpu.sync_copy(rows_v, out_hbm.at[pl.ds(base, bpw)])

    return k(idx_flat, table)


def kernel(spade_fm, x, w1, b1, w2, b2):
    sfm = spade_fm.reshape(B, C1, HW)
    xf = x.reshape(B, C2, HW)
    w1r = w1.reshape(1, C1)
    w2r = w2.reshape(1, C2)
    b1s = b1.reshape(1, 1)
    b2s = b2.reshape(1, 1)

    rec_flat, ref_flat = _convs(sfm, xf, w1r, w2r, b1s, b2s)
    rec_img = rec_flat.reshape(B, H, W)
    ref_img = ref_flat.reshape(B, H, W)

    pb = (ref_img.reshape(B, 64, 2, 64, 2)
          .transpose(0, 1, 3, 2, 4)
          .reshape(B, L, 4)).astype(_BF)
    gg = jnp.pad(rec_img, ((0, 0), (0, 1), (0, 1)))
    g = jnp.stack([gg[:, :H, :W], gg[:, :H, 1:W + 1],
                   gg[:, 1:H + 1, :W], gg[:, 1:H + 1, 1:W + 1]],
                  axis=1)
    g = (g.reshape(B, 4, H, W // 4, 4)
         .transpose(0, 4, 1, 2, 3)
         .reshape(B, 16, _NG).astype(_BF))

    idx = _corr(pb, g)

    pg = (rec_img.reshape(B, 64, 2, 64, 2)
          .transpose(0, 1, 3, 2, 4)
          .reshape(B, L, 4))
    table = jnp.pad(pg, ((0, 0), (0, 0), (0, _D - 4))).reshape(_NROWS, _D)
    idx_flat = (idx[:, :, 0] + (jnp.arange(B, dtype=jnp.int32) * L)[:, None]
                ).reshape(_NROWS)

    out4 = _sc_gather(idx_flat, table)[:, :4].reshape(B, L, 4)

    out = (out4.reshape(B, 64, 64, 2, 2)
           .transpose(0, 1, 3, 2, 4)
           .reshape(B, 1, H, W))
    return out

# --- scband reference (transcript-rebuilt; emitter-appended) ---
"""Pipeline reference for scband-rcblayer-4329327035139 (READ-ONLY COPY).

The authoritative reference and input builder live on the scoring server;
editing this copy changes nothing except your own understanding.
"""

import jax, jax.numpy as jnp
import numpy as np

RE_NC = 384
X_NC = 192


def setup_inputs(seed: int = 0):
    key = jax.random.key(seed)
    ks = jax.random.split(key, 6)
    b, h, w = 2, 128, 128
    spade_fm = jax.random.normal(ks[0], (b, RE_NC, h, w), dtype=jnp.float32)
    x = jax.random.normal(ks[1], (b, X_NC, h, w), dtype=jnp.float32)
    w1 = jax.random.normal(ks[2], (1, RE_NC, 1, 1), dtype=jnp.float32) * (1.0 / np.sqrt(RE_NC))
    b1 = jnp.zeros((1,), dtype=jnp.float32)
    w2 = jax.random.normal(ks[3], (1, X_NC, 1, 1), dtype=jnp.float32) * (1.0 / np.sqrt(X_NC))
    b2 = jnp.zeros((1,), dtype=jnp.float32)
    return {"spade_fm": spade_fm, "x": x, "w1": w1, "b1": b1, "w2": w2, "b2": b2}


def _conv1x1_relu(inp, w, bias):
    # inp: [B,C,H,W], w: [1,C,1,1], bias: [1]
    y = jnp.einsum('bchw,oc->bohw', inp, w[:, :, 0, 0]) + bias[None, :, None, None]
    return jax.nn.relu(y)


def _extract_patches_2x2(img):
    # extract_image_patches(ksizes=[2,2], strides=[2,2], padding='same') with even H,W
    # needs no padding -> non-overlapping 2x2 blocks, row-major over spatial grid.
    # Returns [B, L, C, 2, 2] matching .view(b,c,2,2,-1).permute(0,4,1,2,3).
    B, C, H, W = img.shape
    p = img.reshape(B, C, H // 2, 2, W // 2, 2)
    p = p.transpose(0, 2, 4, 1, 3, 5)  # [B, H//2, W//2, C, 2, 2]
    return p.reshape(B, (H // 2) * (W // 2), C, 2, 2)


def _compose_bad(recon, reference):
    b, c, h, w = reference.shape
    patch_bad = _extract_patches_2x2(reference)   # [b, L, c, 2, 2]
    patch_good = _extract_patches_2x2(recon)      # [b, L, c, 2, 2]
    L = patch_bad.shape[1]

    def per_example(g, p_g, p_b):
        # g: [c,h,w]; same_padding(g,[2,2],[1,1],[1,1]) -> ZeroPad2d(left0,right1,top0,bottom1)
        gg = jnp.pad(g, ((0, 0), (0, 1), (0, 1)))
        # F.conv2d(gg, p_b, stride=1): cross-correlation, L output channels
        yi = jax.lax.conv_general_dilated(
            gg[None], p_b, window_strides=(1, 1), padding='VALID',
            dimension_numbers=('NCHW', 'OIHW', 'NCHW'))  # [1, L, h, w]
        yi = yi.reshape(L, h * w)
        offset = jnp.argmax(yi, axis=1)  # [L]
        index = offset // 4
        return jnp.take(p_g, index, axis=0)  # [L, c, 2, 2]

    finals = jax.vmap(per_example)(recon, patch_good, patch_bad)  # [b, L, c, 2, 2]
    # permute(0,2,3,4,1).view(b, c*4, L) + Fold(output=[h,w], k=2, s=2)
    f = finals.reshape(b, h // 2, w // 2, c, 2, 2).transpose(0, 3, 1, 4, 2, 5)
    return f.reshape(b, c, h, w)


def reference(spade_fm, x, w1, b1, w2, b2):
    recon = _conv1x1_relu(spade_fm, w1, b1)
    reference_fm = _conv1x1_relu(x, w2, b2)
    return _compose_bad(recon, reference_fm)

if __name__ == "__main__":
    import jax
    _d = setup_inputs()
    print(jax.jit(kernel)(*tuple(_d.values())))

</pallas_src>

<mosaic_0001>
#map = affine_map<(d0, d1) -> (0)>
#map1 = affine_map<(d0, d1) -> (0, 0)>
module attributes {stable_mosaic.version = 14 : i64} {
  func.func @k(%arg0: i32, %arg1: i32, %arg2: memref<8192xi32, #tpu.memory_space<hbm>>, %arg3: memref<8192x128xf32, #tpu.memory_space<hbm>>, %arg4: memref<8192x128xf32, #tpu.memory_space<hbm>>, %arg5: memref<256xi32, #tpu.memory_space<vmem>>, %arg6: memref<256x128xf32, #tpu.memory_space<vmem>>, %arg7: memref<!tpu.dma_semaphore, #tpu.memory_space<semaphore_mem>>) attributes {dimension_semantics = [#tpu.dimension_semantics<core_parallel>, #tpu.dimension_semantics<subcore_parallel>], iteration_bounds = array<i64: 2, 16>, scalar_prefetch = 0 : i64, scratch_operands = 3 : i64, tpu.core_type = #tpu.core_type<sc_vector_subcore>, window_params = [{transform_indices = #map}, {transform_indices = #map1}, {transform_indices = #map1}]} {
    %mul3A = arith.constant 2 : i32
    %mul3A_0 = arith.muli %arg1, %mul3A : i32
    %add3A = arith.addi %mul3A_0, %arg0 : i32
    %mul3A_1 = arith.constant 256 : i32
    %mul3A_2 = arith.muli %add3A, %mul3A_1 : i32
    "tpu.region"() ({
      %run_scoped3A = tpu.sem_alloc : memref<!tpu.dma_semaphore, #tpu.memory_space<semaphore_mem>>
      %dma_start3A_7 = tpu.memref_slice %arg2[%mul3A_2] : memref<8192xi32, #tpu.memory_space<hbm>> -> memref<256xi32, #tpu.memory_space<hbm>>
      %dma_start3A_8 = tpu.memref_slice %arg2[%mul3A_2] : memref<8192xi32, #tpu.memory_space<hbm>> -> memref<256xi32, #tpu.memory_space<hbm>>
      tpu.enqueue_dma source(%dma_start3A_8 : memref<256xi32, #tpu.memory_space<hbm>>) target(%arg5 : memref<256xi32, #tpu.memory_space<vmem>>) target_semaphore(%run_scoped3A : memref<!tpu.dma_semaphore, #tpu.memory_space<semaphore_mem>>)
      %dma_wait3A_9 = tpu.memref_slice %arg2[%mul3A_2] : memref<8192xi32, #tpu.memory_space<hbm>> -> memref<256xi32, #tpu.memory_space<hbm>>
      %dma_wait3A_10 = tpu.memref_slice %arg2[%mul3A_2] : memref<8192xi32, #tpu.memory_space<hbm>> -> memref<256xi32, #tpu.memory_space<hbm>>
      tpu.wait_dma2 semaphore(%run_scoped3A : memref<!tpu.dma_semaphore, #tpu.memory_space<semaphore_mem>>) src(%dma_wait3A_10 : memref<256xi32, #tpu.memory_space<hbm>>) dst(%arg5 : memref<256xi32, #tpu.memory_space<vmem>>)
      tpu.yield
    }) : () -> ()
    %dma_start3A = arith.constant 0 : i32
    %dma_start3A_3 = arith.constant 0 : i32
    %dma_start3A_4 = tpu.memref_slice %arg3[%dma_start3A, %dma_start3A_3] : memref<8192x128xf32, #tpu.memory_space<hbm>> -> memref<8192x128xf32, #tpu.memory_space<hbm>>
    tpu.enqueue_indirect_dma source(%dma_start3A_4 : memref<8192x128xf32, #tpu.memory_space<hbm>>) target(%arg6 : memref<256x128xf32, #tpu.memory_space<vmem>>) offsets(%arg5 : memref<256xi32, #tpu.memory_space<vmem>>) semaphore(%arg7 : memref<!tpu.dma_semaphore, #tpu.memory_space<semaphore_mem>>)
    %dma_wait3A = arith.constant 0 : i32
    %dma_wait3A_5 = arith.constant 0 : i32
    %dma_wait3A_6 = tpu.memref_slice %arg3[%dma_wait3A, %dma_wait3A_5] : memref<8192x128xf32, #tpu.memory_space<hbm>> -> memref<8192x128xf32, #tpu.memory_space<hbm>>
    tpu.wait_indirect_dma semaphore(%arg7 : memref<!tpu.dma_semaphore, #tpu.memory_space<semaphore_mem>>) src(%dma_wait3A_6 : memref<8192x128xf32, #tpu.memory_space<hbm>>) dst(%arg6 : memref<256x128xf32, #tpu.memory_space<vmem>>)
    "tpu.region"() ({
      %run_scoped3A = tpu.sem_alloc : memref<!tpu.dma_semaphore, #tpu.memory_space<semaphore_mem>>
      %dma_start3A_7 = arith.constant 0 : i32
      %dma_start3A_8 = tpu.memref_slice %arg4[%mul3A_2, %dma_start3A_7] : memref<8192x128xf32, #tpu.memory_space<hbm>> -> memref<256x128xf32, #tpu.memory_space<hbm>>
      %dma_start3A_9 = arith.constant 0 : i32
      %dma_start3A_10 = tpu.memref_slice %arg4[%mul3A_2, %dma_start3A_9] : memref<8192x128xf32, #tpu.memory_space<hbm>> -> memref<256x128xf32, #tpu.memory_space<hbm>>
      tpu.enqueue_dma source(%arg6 : memref<256x128xf32, #tpu.memory_space<vmem>>) target(%dma_start3A_10 : memref<256x128xf32, #tpu.memory_space<hbm>>) target_semaphore(%run_scoped3A : memref<!tpu.dma_semaphore, #tpu.memory_space<semaphore_mem>>)
      %dma_wait3A_11 = arith.constant 0 : i32
      %dma_wait3A_12 = tpu.memref_slice %arg4[%mul3A_2, %dma_wait3A_11] : memref<8192x128xf32, #tpu.memory_space<hbm>> -> memref<256x128xf32, #tpu.memory_space<hbm>>
      %dma_wait3A_13 = arith.constant 0 : i32
      %dma_wait3A_14 = tpu.memref_slice %arg4[%mul3A_2, %dma_wait3A_13] : memref<8192x128xf32, #tpu.memory_space<hbm>> -> memref<256x128xf32, #tpu.memory_space<hbm>>
      tpu.wait_dma2 semaphore(%run_scoped3A : memref<!tpu.dma_semaphore, #tpu.memory_space<semaphore_mem>>) src(%arg6 : memref<256x128xf32, #tpu.memory_space<vmem>>) dst(%dma_wait3A_14 : memref<256x128xf32, #tpu.memory_space<hbm>>)
      tpu.yield
    }) : () -> ()
    return
  }
}

module attributes {stable_mosaic.version = 14 : i64} {
  func.func @_conv_body(%arg0: i32, %arg1: i32, %arg2: memref<1x384x4096xf32, #tpu.memory_space<vmem>>, %arg3: memref<1x192x4096xf32, #tpu.memory_space<vmem>>, %arg4: memref<1x384xf32, #tpu.memory_space<vmem>>, %arg5: memref<1x192xf32, #tpu.memory_space<vmem>>, %arg6: memref<1x1xf32, #tpu.memory_space<smem>>, %arg7: memref<1x1xf32, #tpu.memory_space<smem>>, %arg8: memref<1x1x4096xf32, #tpu.memory_space<vmem>>, %arg9: memref<1x1x4096xf32, #tpu.memory_space<vmem>>) attributes {dimension_semantics = [#tpu.dimension_semantics<arbitrary>, #tpu.dimension_semantics<arbitrary>], iteration_bounds = array<i64: 2, 4>, scalar_prefetch = 0 : i64, scratch_operands = 0 : i64, tpu.core_type = #tpu.core_type<tc>, window_params = [{transform_indices = @transform_0, window_bounds = array<i64: 1, 384, 4096>}, {transform_indices = @transform_1, window_bounds = array<i64: 1, 192, 4096>}, {pipeline_mode = #tpu.pipeline_mode<synchronous>, transform_indices = @transform_2, window_bounds = array<i64: 1, 384>}, {pipeline_mode = #tpu.pipeline_mode<synchronous>, transform_indices = @transform_3, window_bounds = array<i64: 1, 192>}, {transform_indices = @transform_4, window_bounds = array<i64: 1, 1>}, {transform_indices = @transform_5, window_bounds = array<i64: 1, 1>}, {transform_indices = @transform_6, window_bounds = array<i64: 1, 1, 4096>}, {transform_indices = @transform_7, window_bounds = array<i64: 1, 1, 4096>}]} {
    %get3A = arith.constant 0 : index
    %get3A_0 = arith.constant 0 : index
    %get3A_1 = arith.constant 0 : index
    %get3A_2 = vector.load %arg2[%get3A, %get3A_0, %get3A_1] : memref<1x384x4096xf32, #tpu.memory_space<vmem>>, vector<1x128x4096xf32>
    %get3A_3 = vector.shape_cast %get3A_2 : vector<1x128x4096xf32> to vector<128x4096xf32>
    %convert_element_type3A = arith.truncf %get3A_3 : vector<128x4096xf32> to vector<128x4096xbf16>
    %get3A_4 = arith.constant 0 : index
    %get3A_5 = arith.constant 0 : index
    %get3A_6 = vector.load %arg4[%get3A_4, %get3A_5] : memref<1x384xf32, #tpu.memory_space<vmem>>, vector<1x128xf32>
    %convert_element_type3A_7 = arith.truncf %get3A_6 : vector<1x128xf32> to vector<1x128xbf16>
    %dot_general3A = arith.constant dense<0.000000e+00> : vector<1x4096xf32>
    %dot_general3A_8 = tpu.matmul %convert_element_type3A_7, %convert_element_type3A, %dot_general3A {dimension_numbers = #tpu.dot_dimension_numbers<[1], [0], [0], [1], [0, 0, 1, 1], [], []>, transpose_lhs_hint = false} : vector<1x128xbf16>, vector<128x4096xbf16>, vector<1x4096xf32> -> vector<1x4096xf32>
    %get3A_9 = arith.constant 0 : index
    %get3A_10 = arith.constant 128 : index
    %get3A_11 = arith.constant 0 : index
    %get3A_12 = vector.load %arg2[%get3A_9, %get3A_10, %get3A_11] : memref<1x384x4096xf32, #tpu.memory_space<vmem>>, vector<1x128x4096xf32>
    %get3A_13 = vector.shape_cast %get3A_12 : vector<1x128x4096xf32> to vector<128x4096xf32>
    %convert_element_type3A_14 = arith.truncf %get3A_13 : vector<128x4096xf32> to vector<128x4096xbf16>
    %get3A_15 = arith.constant 0 : index
    %get3A_16 = arith.constant 128 : index
    %get3A_17 = vector.load %arg4[%get3A_15, %get3A_16] : memref<1x384xf32, #tpu.memory_space<vmem>>, vector<1x128xf32>
    %convert_element_type3A_18 = arith.truncf %get3A_17 : vector<1x128xf32> to vector<1x128xbf16>
    %dot_general3A_19 = arith.constant dense<0.000000e+00> : vector<1x4096xf32>
    %dot_general3A_20 = tpu.matmul %convert_element_type3A_18, %convert_element_type3A_14, %dot_general3A_19 {dimension_numbers = #tpu.dot_dimension_numbers<[1], [0], [0], [1], [0, 0, 1, 1], [], []>, transpose_lhs_hint = false} : vector<1x128xbf16>, vector<128x4096xbf16>, vector<1x4096xf32> -> vector<1x4096xf32>
    %add3A = arith.addf %dot_general3A_8, %dot_general3A_20 : vector<1x4096xf32>
    %get3A_21 = arith.constant 0 : index
    %get3A_22 = arith.constant 256 : index
    %get3A_23 = arith.constant 0 : index
    %get3A_24 = vector.load %arg2[%get3A_21, %get3A_22, %get3A_23] : memref<1x384x4096xf32, #tpu.memory_space<vmem>>, vector<1x128x4096xf32>
    %get3A_25 = vector.shape_cast %get3A_24 : vector<1x128x4096xf32> to vector<128x4096xf32>
    %convert_element_type3A_26 = arith.truncf %get3A_25 : vector<128x4096xf32> to vector<128x4096xbf16>
    %get3A_27 = arith.constant 0 : index
    %get3A_28 = arith.constant 256 : index
    %get3A_29 = vector.load %arg4[%get3A_27, %get3A_28] : memref<1x384xf32, #tpu.memory_space<vmem>>, vector<1x128xf32>
    %convert_element_type3A_30 = arith.truncf %get3A_29 : vector<1x128xf32> to vector<1x128xbf16>
    %dot_general3A_31 = arith.constant dense<0.000000e+00> : vector<1x4096xf32>
    %dot_general3A_32 = tpu.matmul %convert_element_type3A_30, %convert_element_type3A_26, %dot_general3A_31 {dimension_numbers = #tpu.dot_dimension_numbers<[1], [0], [0], [1], [0, 0, 1, 1], [], []>, transpose_lhs_hint = false} : vector<1x128xbf16>, vector<128x4096xbf16>, vector<1x4096xf32> -> vector<1x4096xf32>
    %add3A_33 = arith.addf %add3A, %dot_general3A_32 : vector<1x4096xf32>
    %get3A_34 = arith.constant 0 : index
    %get3A_35 = arith.constant 0 : index
    %get3A_36 = memref.load %arg6[%get3A_34, %get3A_35] : memref<1x1xf32, #tpu.memory_space<smem>>
    %add3A_37 = vector.broadcast %get3A_36 : f32 to vector<1x4096xf32>
    %add3A_38 = arith.addf %add3A_33, %add3A_37 : vector<1x4096xf32>
    %max3A = arith.constant 0.000000e+00 : f32
    %max3A_39 = vector.broadcast %max3A : f32 to vector<1x4096xf32>
    %max3A_40 = arith.maximumf %add3A_38, %max3A_39 : vector<1x4096xf32>
    %swap3A = arith.constant 0 : index
    %swap3A_41 = arith.constant 0 : index
    %swap3A_42 = arith.constant 0 : index
    %swap3A_43 = vector.load %arg8[%swap3A, %swap3A_41, %swap3A_42] : memref<1x1x4096xf32, #tpu.memory_space<vmem>>, vector<1x1x4096xf32>
    %swap3A_44 = vector.shape_cast %swap3A_43 : vector<1x1x4096xf32> to vector<1x4096xf32>
    %swap3A_45 = vector.shape_cast %max3A_40 : vector<1x4096xf32> to vector<1x1x4096xf32>
    tpu.vector_store %arg8[%swap3A, %swap3A_41, %swap3A_42], %swap3A_45 {strides = array<i32>} : memref<1x1x4096xf32, #tpu.memory_space<vmem>>, vector<1x1x4096xf32>,
    %get3A_46 = arith.constant 0 : index
    %get3A_47 = arith.constant 0 : index
    %get3A_48 = arith.constant 0 : index
    %get3A_49 = vector.load %arg3[%get3A_46, %get3A_47, %get3A_48] : memref<1x192x4096xf32, #tpu.memory_space<vmem>>, vector<1x192x4096xf32>
    %get3A_50 = vector.shape_cast %get3A_49 : vector<1x192x4096xf32> to vector<192x4096xf32>
    %convert_element_type3A_51 = arith.truncf %get3A_50 : vector<192x4096xf32> to vector<192x4096xbf16>
    %get3A_52 = arith.constant 0 : index
    %get3A_53 = arith.constant 0 : index
    %get3A_54 = vector.load %arg5[%get3A_52, %get3A_53] : memref<1x192xf32, #tpu.memory_space<vmem>>, vector<1x192xf32>
    %convert_element_type3A_55 = arith.truncf %get3A_54 : vector<1x192xf32> to vector<1x192xbf16>
    %dot_general3A_56 = arith.constant dense<0.000000e+00> : vector<1x4096xf32>
    %dot_general3A_57 = tpu.matmul %convert_element_type3A_55, %convert_element_type3A_51, %dot_general3A_56 {dimension_numbers = #tpu.dot_dimension_numbers<[1], [0], [0], [1], [0, 0, 1, 1], [], []>, transpose_lhs_hint = false} : vector<1x192xbf16>, vector<192x4096xbf16>, vector<1x4096xf32> -> vector<1x4096xf32>
    %get3A_58 = arith.constant 0 : index
    %get3A_59 = arith.constant 0 : index
    %get3A_60 = memref.load %arg7[%get3A_58, %get3A_59] : memref<1x1xf32, #tpu.memory_space<smem>>
    %add3A_61 = vector.broadcast %get3A_60 : f32 to vector<1x4096xf32>
    %add3A_62 = arith.addf %dot_general3A_57, %add3A_61 : vector<1x4096xf32>
    %max3A_63 = arith.constant 0.000000e+00 : f32
    %max3A_64 = vector.broadcast %max3A_63 : f32 to vector<1x4096xf32>
    %max3A_65 = arith.maximumf %add3A_62, %max3A_64 : vector<1x4096xf32>
    %swap3A_66 = arith.constant 0 : index
    %swap3A_67 = arith.constant 0 : index
    %swap3A_68 = arith.constant 0 : index
    %swap3A_69 = vector.load %arg9[%swap3A_66, %swap3A_67, %swap3A_68] : memref<1x1x4096xf32, #tpu.memory_space<vmem>>, vector<1x1x4096xf32>
    %swap3A_70 = vector.shape_cast %swap3A_69 : vector<1x1x4096xf32> to vector<1x4096xf32>
    %swap3A_71 = vector.shape_cast %max3A_65 : vector<1x4096xf32> to vector<1x1x4096xf32>
    tpu.vector_store %arg9[%swap3A_66, %swap3A_67, %swap3A_68], %swap3A_71 {strides = array<i32>} : memref<1x1x4096xf32, #tpu.memory_space<vmem>>, vector<1x1x4096xf32>,
    return
  }
  func.func @transform_0(%arg0: i32, %arg1: i32) -> (i32, i32, i32) {
    %c0_i32 = arith.constant 0 : i32
    %c0_i32_0 = arith.constant 0 : i32
    return %arg0, %c0_i32, %arg1 : i32, i32, i32
  }
  func.func @transform_1(%arg0: i32, %arg1: i32) -> (i32, i32, i32) {
    %c0_i32 = arith.constant 0 : i32
    %c0_i32_0 = arith.constant 0 : i32
    return %arg0, %c0_i32, %arg1 : i32, i32, i32
  }
  func.func @transform_2(%arg0: i32, %arg1: i32) -> (i32, i32) {
    %c0_i32 = arith.constant 0 : i32
    %c0_i32_0 = arith.constant 0 : i32
    %c0_i32_1 = arith.constant 0 : i32
    return %c0_i32, %c0_i32_0 : i32, i32
  }
  func.func @transform_3(%arg0: i32, %arg1: i32) -> (i32, i32) {
    %c0_i32 = arith.constant 0 : i32
    %c0_i32_0 = arith.constant 0 : i32
    %c0_i32_1 = arith.constant 0 : i32
    return %c0_i32, %c0_i32_0 : i32, i32
  }
  func.func @transform_4(%arg0: i32, %arg1: i32) -> (i32, i32) {
    %c0_i32 = arith.constant 0 : i32
    %c0_i32_0 = arith.constant 0 : i32
    %c0_i32_1 = arith.constant 0 : i32
    return %c0_i32, %c0_i32_0 : i32, i32
  }
  func.func @transform_5(%arg0: i32, %arg1: i32) -> (i32, i32) {
    %c0_i32 = arith.constant 0 : i32
    %c0_i32_0 = arith.constant 0 : i32
    %c0_i32_1 = arith.constant 0 : i32
    return %c0_i32, %c0_i32_0 : i32, i32
  }
  func.func @transform_6(%arg0: i32, %arg1: i32) -> (i32, i32, i32) {
    %c0_i32 = arith.constant 0 : i32
    %c0_i32_0 = arith.constant 0 : i32
    return %arg0, %c0_i32, %arg1 : i32, i32, i32
  }
  func.func @transform_7(%arg0: i32, %arg1: i32) -> (i32, i32, i32) {
    %c0_i32 = arith.constant 0 : i32
    %c0_i32_0 = arith.constant 0 : i32
    return %arg0, %c0_i32, %arg1 : i32, i32, i32
  }
}

module attributes {stable_mosaic.version = 14 : i64} {
  func.func @_corr_body(%arg0: i32, %arg1: i32, %arg2: memref<1x1024x4xbf16, #tpu.memory_space<vmem>>, %arg3: memref<1x16x4096xbf16, #tpu.memory_space<vmem>>, %arg4: memref<1x1024x1xi32, #tpu.memory_space<vmem>>) attributes {dimension_semantics = [#tpu.dimension_semantics<arbitrary>, #tpu.dimension_semantics<arbitrary>], iteration_bounds = array<i64: 2, 4>, scalar_prefetch = 0 : i64, scratch_operands = 0 : i64, tpu.core_type = #tpu.core_type<tc>, window_params = [{transform_indices = @transform_0, window_bounds = array<i64: 1, 1024, 4>}, {transform_indices = @transform_1, window_bounds = array<i64: 1, 16, 4096>}, {transform_indices = @transform_2, window_bounds = array<i64: 1, 1024, 1>}]} {
    %get3A = arith.constant 0 : index
    %get3A_0 = arith.constant 0 : index
    %get3A_1 = arith.constant 0 : index
    %get3A_2 = vector.load %arg2[%get3A, %get3A_0, %get3A_1] : memref<1x1024x4xbf16, #tpu.memory_space<vmem>>, vector<1x1024x4xbf16>
    %get3A_3 = vector.shape_cast %get3A_2 : vector<1x1024x4xbf16> to vector<1024x4xbf16>
    %broadcast_in_dim3A = arith.constant 0xFF800000 : f32
    %broadcast_in_dim3A_4 = vector.broadcast %broadcast_in_dim3A : f32 to vector<1024x1xf32>
    %broadcast_in_dim3A_5 = arith.constant 0 : i32
    %broadcast_in_dim3A_6 = vector.broadcast %broadcast_in_dim3A_5 : i32 to vector<1024x1xi32>
    %scan3A = arith.constant 0 : i32
    %mul3A = arith.constant 4096 : i32
    %mul3A_7 = arith.muli %scan3A, %mul3A : i32
    %get3A_8 = arith.constant 0 : index
    %get3A_9 = arith.constant 0 : index
    %get3A_10 = arith.index_cast %mul3A_7 : i32 to index
    %get3A_11 = vector.load %arg3[%get3A_8, %get3A_9, %get3A_10] : memref<1x16x4096xbf16, #tpu.memory_space<vmem>>, vector<1x4x4096xbf16>
    %get3A_12 = vector.shape_cast %get3A_11 : vector<1x4x4096xbf16> to vector<4x4096xbf16>
    %dot_general3A = arith.constant dense<0.000000e+00> : vector<1024x4096xf32>
    %dot_general3A_13 = tpu.matmul %get3A_3, %get3A_12, %dot_general3A {dimension_numbers = #tpu.dot_dimension_numbers<[1], [0], [0], [1], [0, 0, 1, 1], [], []>, transpose_lhs_hint = false} : vector<1024x4xbf16>, vector<4x4096xbf16>, vector<1024x4096xf32> -> vector<1024x4096xf32>
    %get3A_14 = arith.constant 0 : index
    %get3A_15 = arith.constant 4 : index
    %get3A_16 = arith.index_cast %mul3A_7 : i32 to index
    %get3A_17 = vector.load %arg3[%get3A_14, %get3A_15, %get3A_16] : memref<1x16x4096xbf16, #tpu.memory_space<vmem>>, vector<1x4x4096xbf16>
    %get3A_18 = vector.shape_cast %get3A_17 : vector<1x4x4096xbf16> to vector<4x4096xbf16>
    %dot_general3A_19 = arith.constant dense<0.000000e+00> : vector<1024x4096xf32>
    %dot_general3A_20 = tpu.matmul %get3A_3, %get3A_18, %dot_general3A_19 {dimension_numbers = #tpu.dot_dimension_numbers<[1], [0], [0], [1], [0, 0, 1, 1], [], []>, transpose_lhs_hint = false} : vector<1024x4xbf16>, vector<4x4096xbf16>, vector<1024x4096xf32> -> vector<1024x4096xf32>
    %max3A = arith.maximumf %dot_general3A_13, %dot_general3A_20 : vector<1024x4096xf32>
    %get3A_21 = arith.constant 0 : index
    %get3A_22 = arith.constant 8 : index
    %get3A_23 = arith.index_cast %mul3A_7 : i32 to index
    %get3A_24 = vector.load %arg3[%get3A_21, %get3A_22, %get3A_23] : memref<1x16x4096xbf16, #tpu.memory_space<vmem>>, vector<1x4x4096xbf16>
    %get3A_25 = vector.shape_cast %get3A_24 : vector<1x4x4096xbf16> to vector<4x4096xbf16>
    %dot_general3A_26 = arith.constant dense<0.000000e+00> : vector<1024x4096xf32>
    %dot_general3A_27 = tpu.matmul %get3A_3, %get3A_25, %dot_general3A_26 {dimension_numbers = #tpu.dot_dimension_numbers<[1], [0], [0], [1], [0, 0, 1, 1], [], []>, transpose_lhs_hint = false} : vector<1024x4xbf16>, vector<4x4096xbf16>, vector<1024x4096xf32> -> vector<1024x4096xf32>
    %max3A_28 = arith.maximumf %max3A, %dot_general3A_27 : vector<1024x4096xf32>
    %get3A_29 = arith.constant 0 : index
    %get3A_30 = arith.constant 12 : index
    %get3A_31 = arith.index_cast %mul3A_7 : i32 to index
    %get3A_32 = vector.load %arg3[%get3A_29, %get3A_30, %get3A_31] : memref<1x16x4096xbf16, #tpu.memory_space<vmem>>, vector<1x4x4096xbf16>
    %get3A_33 = vector.shape_cast %get3A_32 : vector<1x4x4096xbf16> to vector<4x4096xbf16>
    %dot_general3A_34 = arith.constant dense<0.000000e+00> : vector<1024x4096xf32>
    %dot_general3A_35 = tpu.matmul %get3A_3, %get3A_33, %dot_general3A_34 {dimension_numbers = #tpu.dot_dimension_numbers<[1], [0], [0], [1], [0, 0, 1, 1], [], []>, transpose_lhs_hint = false} : vector<1024x4xbf16>, vector<4x4096xbf16>, vector<1024x4096xf32> -> vector<1024x4096xf32>
    %max3A_36 = arith.maximumf %max3A_28, %dot_general3A_35 : vector<1024x4096xf32>
    %reduce_max3A = arith.constant dense<0xFF800000> : vector<1024xf32>
    %reduce_max3A_37 = vector.multi_reduction <maximumf>, %max3A_36, %reduce_max3A [1] : vector<1024x4096xf32> to vector<1024xf32>
    %broadcast_in_dim3A_38 = vector.shape_cast %reduce_max3A_37 : vector<1024xf32> to vector<1024x1xf32>
    %iota3A = tpu.iota {dimensions = array<i32: 1>} : vector<1024x4096xi32>
    %add3A = vector.broadcast %mul3A_7 : i32 to vector<1024x4096xi32>
    %add3A_39 = arith.addi %iota3A, %add3A : vector<1024x4096xi32>
    %eq3A = vector.broadcast %broadcast_in_dim3A_38 : vector<1024x1xf32> to vector<1024x4096xf32>
    %eq3A_40 = arith.cmpf oeq, %max3A_36, %eq3A : vector<1024x4096xf32>
    %jit3A = arith.constant 4096 : i32
    %broadcast_in_dim3A_41 = vector.broadcast %jit3A : i32 to vector<1024x4096xi32>
    %select_n3A = arith.select %eq3A_40, %add3A_39, %broadcast_in_dim3A_41 : vector<1024x4096xi1>, vector<1024x4096xi32>
    %reduce_min3A = arith.constant dense<2147483647> : vector<1024xi32>
    %reduce_min3A_42 = vector.multi_reduction <minsi>, %select_n3A, %reduce_min3A [1] : vector<1024x4096xi32> to vector<1024xi32>
    %broadcast_in_dim3A_43 = vector.shape_cast %reduce_min3A_42 : vector<1024xi32> to vector<1024x1xi32>
    %gt3A = arith.cmpf ogt, %broadcast_in_dim3A_38, %broadcast_in_dim3A_4 : vector<1024x1xf32>
    %select_n3A_44 = arith.select %gt3A, %broadcast_in_dim3A_38, %broadcast_in_dim3A_4 : vector<1024x1xi1>, vector<1024x1xf32>
    %select_n3A_45 = arith.select %gt3A, %broadcast_in_dim3A_43, %broadcast_in_dim3A_6 : vector<1024x1xi1>, vector<1024x1xi32>
    %scan3A_46 = arith.constant 1 : i32
    %swap3A = arith.constant 0 : index
    %swap3A_47 = arith.constant 0 : index
    %swap3A_48 = arith.constant 0 : index
    %swap3A_49 = vector.load %arg4[%swap3A, %swap3A_47, %swap3A_48] : memref<1x1024x1xi32, #tpu.memory_space<vmem>>, vector<1x1024x1xi32>
    %swap3A_50 = vector.shape_cast %swap3A_49 : vector<1x1024x1xi32> to vector<1024x1xi32>
    %swap3A_51 = vector.shape_cast %select_n3A_45 : vector<1024x1xi32> to vector<1x1024x1xi32>
    tpu.vector_store %arg4[%swap3A, %swap3A_47, %swap3A_48], %swap3A_51 {strides = array<i32>} : memref<1x1024x1xi32, #tpu.memory_space<vmem>>, vector<1x1024x1xi32>,
    return
  }
  func.func @transform_0(%arg0: i32, %arg1: i32) -> (i32, i32, i32) {
    %c0_i32 = arith.constant 0 : i32
    %c0_i32_0 = arith.constant 0 : i32
    return %arg0, %arg1, %c0_i32 : i32, i32, i32
  }
  func.func @transform_1(%arg0: i32, %arg1: i32) -> (i32, i32, i32) {
    %c0_i32 = arith.constant 0 : i32
    %c0_i32_0 = arith.constant 0 : i32
    %c0_i32_1 = arith.constant 0 : i32
    return %arg0, %c0_i32, %c0_i32_0 : i32, i32, i32
  }
  func.func @transform_2(%arg0: i32, %arg1: i32) -> (i32, i32, i32) {
    %c0_i32 = arith.constant 0 : i32
    %c0_i32_0 = arith.constant 0 : i32
    return %arg0, %arg1, %c0_i32 : i32, i32, i32
  }
}

</mosaic_0001>

<sc_bundles>
// kernel: kernel.5.cloned.1.call-start
scs
__scs_entry_jumppad:
0x0: {  	(pc) =	sbr.rel $0x88, $3  }
0x1: {  	(tag) =	ssettag $0x0;
	lr =	simm.s32 $0x1  }
0x2: {  	[smem:$0x3F9B] =	sst lr;
	_ =	strace $0xD0000000  }
0x3: {  	_ = 	snop  }
0x4: {  	_ = 	snop  }
0x5: {  	_ = 	snop  }
0x6: {  	_ = 	snop  }
0x7: {  	_ = 	snop  }
__scs_overlays_trampoline_lowered:
0x8: {  	[smem:$0x3FAA] =	sst s0  }
0x9: {  	[smem:$0x3FAB] =	sst s1  }
0xa: {  	[smem:$0x3FAC] =	sst s2  }
0xb: {  	[smem:$0x3FAD] =	sst s3  }
0xc: {  	[smem:$0x3FAE] =	sst s4  }
0xd: {  	[smem:$0x3FAF] =	sst s5  }
0xe: {  	[smem:$0x3FB0] =	sst s6  }
0xf: {  	[smem:$0x3FB1] =	sst s7  }
0x10: {  	[smem:$0x3FB2] =	sst s8  }
0x11: {  	[smem:$0x3FB3] =	sst s9;
	s0 =	simm.s32 @!p0 $0x0  }
0x12: {  	s1 =	sld [smem:$0x3F99];
	s0 =	simm.s32 @p0 $0x1  }
0x13: {  	[smem:$0x3FB4] =	sst s0;
	s0 =	simm.s32 @!p1 $0x0  }
0x14: {  	s2 =	sld [smem:$0x3F98];
	s0 =	simm.s32 @p1 $0x1  }
0x15: {  	[smem:$0x3FB5] =	sst s0;
	s0 =	simm.s32 @!p2 $0x0  }
0x16: {  	s3 =	sld [smem:$0x3FDB];
	s0 =	simm.s32 @p2 $0x1  }
0x17: {  	s4 =	simm.s32 $0x1BF5;
	[smem:$0x3FB7] =	sst s0  }
0x18: {  	s0 =	sld [smem:$0x3F9A];
	_ =	swait.ge [sflag:s4], $0x0  }
0x19: {  	s7 =	sld [smem:$0x3F9B]  }
0x1a: {  	s8 =	sadd.s32 $0xFFFFE003, lr  }
0x1b: {  	s9 =	sadd.s32 $0xFFFFFEF7, lr;
	s5 =	simm.s32 $0xFFFFFFFF;
	p2 =	slt.u32 s8, $0xFFFFF086  }
0x1c: {  	p1 =	slt.u32 s9, $0xF7A;
	s5 =	simm.s32 @!p2 $0x0  }
0x1d: {  	s5 =	simm.s32 @p1 $0x1;
	p0 =	seq.s32 s7, s2  }
0x1e: {  	s7 =	smul.u32 @!p0 $0xF7A, s2;
	p2 =	seq.s32 @!p0 s5, $0x0  }
0x1f: {  	s9 =	smul.u32 $0xF7A, s1;
	s8 =	simm.s32 @!p0 $0x1BF5;
	p2 =	por !p2, p0  }
0x20: {  	[sflag:s8] =	ssyncset.s32 @!p0 $0xFFFFF086;
	s6 =	sadd.s32 @!p0 s3, s7;
	s7 =	simm.s32 @!p0 $0x108  }
0x21: {  	s3 =	sadd.s32 s3, s9;
	s6 =	sadd.s32 @!p0 $0x88, s6;
	s7 =	simm.s32 @p2 $0x1082  }
0x22: {  	[simem:s7], [sflag:s8] =	dma.local @!p0 [hbm:s6], $0xF7A  }
0x23: {  	s9 =	sor.u32 $0xD0000000, s2;
	s6 =	simm.s32 $0x108;
	_ =	swait.ge @!p0 [sflag:s8], $0x0  }
0x24: {  	s3 =	sadd.s32 $0x88, s3;
	s6 =	simm.s32 @!p1 $0x1082;
	[sflag:s4] =	ssyncset.s32 $0xFFFFF086  }
0x25: {  	[simem:s6], [sflag:s4] =	dma.local [hbm:s3], $0xF7A  }
0x26: {  	[smem:$0x3F9B] =	sst s1;
	(tag) =	ssettag s2;
	_ =	strace s9  }
0x27: {  	s1 =	sld [smem:$0x3FAB]  }
0x28: {  	s2 =	sld [smem:$0x3FAC]  }
0x29: {  	s4 =	sld [smem:$0x3FAE]  }
0x2a: {  	p0 =	seq.s32 s5, $0x0;
	s5 =	sld [smem:$0x3FAF]  }
0x2b: {  	s6 =	sld [smem:$0x3FB0]  }
0x2c: {  	s7 =	sld [smem:$0x3FB1]  }
0x2d: {  	s3 =	simm.s32 $0x108;
	s8 =	sld [smem:$0x3FB2]  }
0x2e: {  	s3 =	simm.s32 @!p0 $0x1082;
	s9 =	sld [smem:$0x3FB3]  }
0x2f: {  	lr =	sadd.s32 s0, s3;
	s0 =	sld [smem:$0x3FAA]  }
0x30: {  	s3 =	sld [smem:$0x3FAD]  }
0x31: {  	[smem:$0x3FB6] =	sst s10  }
0x32: {  	s10 =	sld [smem:$0x3FB4];
	_ =	sdelay $0x3  }
0x33: {  	p0 =	seq.s32 s10, $0x1;
	s10 =	sld [smem:$0x3FB6];
	_ =	sdelay $0x3  }
0x34: {  	[smem:$0x3FB6] =	sst s10  }
0x35: {  	s10 =	sld [smem:$0x3FB5];
	_ =	sdelay $0x3  }
0x36: {  	p1 =	seq.s32 s10, $0x1;
	s10 =	sld [smem:$0x3FB6];
	_ =	sdelay $0x3  }
0x37: {  	[smem:$0x3FB6] =	sst s10  }
0x38: {  	s10 =	sld [smem:$0x3FB7]  }
0x39: {  	_ = 	snop;
	(pc) =	sbr.ind lr, $3  }
0x3a: {  	_ = 	snop  }
0x3b: {  	_ = 	snop  }
0x3c: {  	p2 =	seq.s32 s10, $0x1;
	s10 =	sld [smem:$0x3FB6]  }
0x3d: {  	_ =	shalt  }
0x3e: {  	_ =	shalt  }
0x3f: {  	_ =	shalt  }
0x40: {  	_ =	shalt  }
0x41: {  	_ =	shalt  }
0x42: {  	_ =	shalt  }
0x43: {  	_ =	shalt  }
0x44: {  	_ =	shalt  }
0x45: {  	_ =	shalt  }
0x46: {  	_ =	shalt  }
0x47: {  	_ =	shalt  }
0x48: {  	_ =	shalt  }
0x49: {  	_ =	shalt  }
0x4a: {  	_ =	shalt  }
0x4b: {  	_ =	shalt  }
0x4c: {  	_ =	shalt  }
0x4d: {  	_ =	shalt  }
0x4e: {  	_ =	shalt  }
0x4f: {  	_ =	shalt  }
0x50: {  	_ =	shalt  }
0x51: {  	_ =	shalt  }
0x52: {  	_ =	shalt  }
0x53: {  	_ =	shalt  }
0x54: {  	_ =	shalt  }
0x55: {  	_ =	shalt  }
0x56: {  	_ =	shalt  }
0x57: {  	_ =	shalt  }
0x58: {  	_ =	shalt  }
0x59: {  	_ =	shalt  }
0x5a: {  	_ =	shalt  }
0x5b: {  	_ =	shalt  }
0x5c: {  	_ =	shalt  }
0x5d: {  	_ =	shalt  }
0x5e: {  	_ =	shalt  }
0x5f: {  	_ =	shalt  }
0x60: {  	_ =	shalt  }
0x61: {  	_ =	shalt  }
0x62: {  	_ =	shalt  }
0x63: {  	_ =	shalt  }
0x64: {  	_ =	shalt  }
0x65: {  	_ =	shalt  }
0x66: {  	_ =	shalt  }
0x67: {  	_ =	shalt  }
0x68: {  	_ =	shalt  }
0x69: {  	_ =	shalt  }
0x6a: {  	_ =	shalt  }
0x6b: {  	_ =	shalt  }
0x6c: {  	_ =	shalt  }
0x6d: {  	_ =	shalt  }
0x6e: {  	_ =	shalt  }
0x6f: {  	_ =	shalt  }
0x70: {  	_ =	shalt  }
0x71: {  	_ =	shalt  }
0x72: {  	_ =	shalt  }
0x73: {  	_ =	shalt  }
0x74: {  	_ =	shalt  }
0x75: {  	_ =	shalt  }
0x76: {  	_ =	shalt  }
0x77: {  	_ =	shalt  }
0x78: {  	_ =	shalt  }
0x79: {  	_ =	shalt  }
0x7a: {  	_ =	shalt  }
0x7b: {  	_ =	shalt  }
0x7c: {  	_ =	shalt  }
0x7d: {  	_ =	shalt  }
0x7e: {  	_ =	shalt  }
0x7f: {  	_ =	shalt  }
0x80: {  	_ =	shalt  }
0x81: {  	_ =	shalt  }
0x82: {  	_ =	shalt  }
0x83: {  	_ =	shalt  }
0x84: {  	_ =	shalt  }
0x85: {  	_ =	shalt  }
0x86: {  	_ =	shalt  }
0x87: {  	_ =	shalt  }
.Lfunc_end0:
.L_simem_size_0:
called_computation_lowered:
.L_overlay_start_0:
0x88: {  	s2 =	sld [smem:$0x3FD9]  }
0x89: {  	s3 =	sld [smem:$0x3FFE];
	_ =	sdelay $0x1  }
0x8a: {  	s1 =	srdreg.scid  }
0x8b: {  	s0 =	sand.u32 $0x1, s1  }
0x8c: {  	s17 =	sshll.u32 s0, $0xA;
	s2 =	sadd.s32 s3, s2  }
0x8d: {  	s2 =	sadd.s32 s2, s17  }
0x8e: {  	[smem:$0x3FC2] =	sst s2  }
0x8f: {  	_ = 	snop  }
0x90: {  	s2 =	sld [smem:$0x3FD0];
	(tm) =	ssettm $0x1  }
0x91: {  	s18 =	sld [smem:$0x3FFB];
	_ =	sdelay $0x3  }
0x92: {  	_ =	strace s18  }
0x93: {  	s3 =	sld [smem:$0x3FFC];
	_ =	sdelay $0x3  }
0x94: {  	_ =	strace s3  }
0x95: {  	s3 =	sld [smem:$0x3FFD];
	_ =	sdelay $0x3  }
0x96: {  	_ =	strace s3  }
0x97: {  	_ =	strace $0x8FFFFFFF  }
0x98: {  	s19 =	sld [smem:$0x3FDB];
	_ =	sdelay $0x1  }
0x99: {  	s4 =	simm.s32 $_scs_section_size  }
0x9a: {  	s5 =	simm.s32 $_size__tile_overlayer_lowered;
	s6 =	simm.s32 $_tile_overlayer_lowered  }
0x9b: {  	s22 =	simm.s32 $0x1BFF;
	s21 =	sshll.u32 s6, $0x1;
	s3 =	sadd.s32 s4, s19  }
0x9c: {  	s7 =	simm.s32 $0x0;
	s20 =	sshll.u32 s5, $0x1;
	s5 =	sadd.s32 s21, s3  }
0x9d: {  	[timem:s7], [sflag:s22] =	dma.local [hbm:s5], s20  }
0x9e: {  	_ =	swait.ge [sflag:s22], s20  }
0x9f: {  	s4 =	ssub.s32 $0x0, s20;
	[sflag:s22] =	ssyncset.done $0x0  }
0xa0: {  	[sflag:s22] =	ssyncadd.s32 s4;
	_ =	sdelay $0x1  }
0xa1: {  	s23 =	simm.s32 $0x1B8B  }
0xa2: {  	_ =	swait.ge [sflag:s23], $0x1  }
0xa3: {  	[sflag:s23] =	ssyncset.done $0x0  }
0xa4: {  	s25 =	simm.s32 $0x1B8E;
	s24 =	sld [smem:$0x3FFE];
	[sflag:s23] =	ssyncadd.s32 $0xFFFFFFFF  }
0xa5: {  	s26 =	simm.s32 $execute0_lowered;
	[smem:$0x3FD2] =	sst s25  }
0xa6: {  	s5 =	sshll.u32 s26, $0x1;
	_ =	strace $0x80000046;
	[dreg:$0x1] =	wrdreg $0xFFFFFFFF  }
0xa7: {  	s28 =	simm.s32 $_size_execute0_lowered;
	s3 =	sadd.s32 s3, s5;
	[dreg:$0x0] =	wrdreg $0x0  }
0xa8: {  	s5 =	sshll.u32 s28, $0x1;
	[dreg:$0x2] =	wrdreg s3  }
0xa9: {  	[dreg:$0x3] =	wrdreg s5  }
0xaa: {  	[dreg:$0x4] =	wrdreg $0xC0  }
0xab: {  	_ =	task [dreg:s7], $0x5FFFF  }
0xac: {  	[dreg:$0x1] =	wrdreg $0xFFFFFFFF  }
0xad: {  	[dreg:$0x0] =	wrdreg $0x60  }
0xae: {  	[dreg:$0x2] =	wrdreg s2  }
0xaf: {  	[dreg:$0x3] =	wrdreg s24  }
0xb0: {  	[dreg:$0x4] =	wrdreg $0x9  }
0xb1: {  	_ =	task.clear_ibuf [dreg:s7], $0x5FFFF;
	_ =	strace $0x90000046  }
0xb2: {  	s29 =	simm.s32 $0x9;
	_ =	strace $0x80000048  }
0xb3: {  	_ =	swait.ge [sflag:s29], $0x1  }
0xb4: {  	[sflag:s29] =	ssyncadd.s32 $0xFFFFFFFF  }
0xb5: {  	_ =	strace $0x90000048  }
0xb6: {  	_ =	sfence  }
0xb7: {  	s30 =	sld [smem:$0x0];
	_ =	sdelay $0x2  }
0xb8: {  	s31 =	sshll.u32 s1, $0xD;
	s1 =	sshrl.u32 s1, $0x2  }
0xb9: {  	s3 =	sand.u32 $0x4000, s31;
	s1 =	sadd.s32 s1, s30  }
0xba: {  	s0 =	sor.u32 s3, s0;
	s1 =	sshll.u32 s1, $0x11  }
0xbb: {  	s0 =	sor.u32 s1, s0  }
0xbc: {  	s0 =	sadd.s32 $0x8F2B, s0  }
0xbd: {  	[sflag:s0] =	ssyncadd.remote.s32 $0x1  }
0xbe: {  	_ =	sfence.sel $0xFFFF  }
0xbf: {  	[dreg:$0x0] =	wrdreg $0xFFFFFFFF;
	(pc) =	sbr.abs _section_cstart, $3  }
0xc0: {  	[dreg:$0x1] =	wrdreg $0xFFFFFFFF  }
0xc1: {  	_ =	task.clear_ibuf [dreg:s7], $0x2FFFF;
	_ =	strace $0x9FFFFFFF  }
0xc2: {  	(tm) =	ssettm $0x7FFFFFFF  }
0xc3: {  	_ =	shalt  }
tec
execute0_lowered:
.L_overlay_start_1:
0x0: {  	(tag) =	ssettag $0x1  }
0x1: {  	s1 =	srdreg.scid;
	s4 =	rddreg [dreg:$0x0]  }
0x2: {  	s0 =	stileid.u32;
	s2 =	rddreg [dreg:$0x1];
	s6 =	sand.u32 $0x1, s1  }
0x3: {  	s3 =	simm.s32 $0x0;
	s5 =	sshll.u32 s0, $0x9;
	s7 =	sshll.u32 s6, $0x8  }
0x4: {  	[smem:$0x7FF] =	sst s3;
	s8 =	sor.u32 s7, s5  }
0x5: {  	s1 =	rddreg [dreg:$0x2];
	_ =	strace $0x80000047;
	s5 =	sshrl.u32 s8, $0x3  }
0x6: {  	s9 =	ssub.s32 $0x2, s6;
	s5 =	sadd.s32 s4, s5;
	s4 =	simm.s32 $0x2  }
0x7: {  	[tilespmem:s3], [sflag:$0x2] =	stream.linear.gather [hbm4b:s5+s3], $0x100, $0x38;
	[tilespmem:$0x8100] =	vst v63  }
0x8: {  	s10 =	sshrl.u32 s9, $0x1;
	_ =	swait.ge [sflag:s4], $0x100  }
0x9: {  	s6 =	simm.s32 $0x100;
	s9 =	ssub.s32 s9, s10;
	[sflag:s4] =	ssyncset.done $0x0  }
0xa: {  	s7 =	simm.s32 $0x1;
	s9 =	smax.u32 s9, $0x1;
	[sflag:s4] =	ssyncadd.s32 $0xFFFFFF00  }
0xb: {  	[tilespmem:s6], [sflag:$0x1] =	stream.indirect.gather [hbm4b:s2+s6], $0x80, s3, s6, $0xb8;
	[tilespmem:$0x8100] =	vst v63  }
0xc: {  	s8 =	sshll.u32 s8, $0x4;
	p0 =	sne.s32 s9, $0x1;
	_ =	swait.ge [sflag:s7], $0x8000  }
.Ltmp0:
0xd: {  	s8 =	sadd.s32 s8, s2;
	[sflag:s7] =	ssyncset.done $0x0;
	(pc) =	sbr.rel @!p0 .LBB2_2-.Ltmp0, $4  }
0xe: {  	s8 =	sadd.s32 $0x20000, s8;
	[sflag:s7] =	ssyncadd.s32 $0xFFFF8000  }
0xf: {  	[hbm4b:s8+s3] =	stream.linear.scatter [tilespmem:s6], [sflag:$0x2], $0x8000, $0x38;
	[tilespmem:$0x8100] =	vst v63  }
0x10: {  	_ =	swait.ge [sflag:s4], $0x8000  }
0x11: {  	s9 =	sadd.s32 $0xFFFFFFFF, s9;
	[sflag:s4] =	ssyncset.done $0x0  }
.LBB2_1:
0x12: {  	p0 =	sne.s32 s9, $0x1;
	s9 =	sadd.s32 $0xFFFFFFFF, s9;
	[sflag:s4] =	ssyncadd.s32 $0xFFFF8000  }
0x13: {  	[tilespmem:s3], [sflag:$0x2] =	stream.linear.gather [hbm4b:s5+s3], $0x100, $0x38;
	[tilespmem:$0x8100] =	vst v63  }
0x14: {  	_ =	swait.ge [sflag:s4], $0x100  }
0x15: {  	[sflag:s4] =	ssyncset.done $0x0  }
0x16: {  	[sflag:s4] =	ssyncadd.s32 $0xFFFFFF00  }
0x17: {  	[tilespmem:s6], [sflag:$0x1] =	stream.indirect.gather [hbm4b:s2+s6], $0x80, s3, s6, $0xb8;
	[tilespmem:$0x8100] =	vst v63  }
0x18: {  	_ =	swait.ge [sflag:s7], $0x8000  }
.Ltmp1:
0x19: {  	[sflag:s7] =	ssyncset.done $0x0;
	(pc) =	sbr.rel @p0 .LBB2_1-.Ltmp1, $4  }
0x1a: {  	[sflag:s7] =	ssyncadd.s32 $0xFFFF8000  }
0x1b: {  	[hbm4b:s8+s3] =	stream.linear.scatter [tilespmem:s6], [sflag:$0x2], $0x8000, $0x38;
	[tilespmem:$0x8100] =	vst v63  }
0x1c: {  	_ =	swait.ge [sflag:s4], $0x8000  }
0x1d: {  	[sflag:s4] =	ssyncset.done $0x0  }
.LBB2_2:
0x1e: {  	[sflag:s4] =	ssyncadd.s32 $0xFFFF8000  }
0x1f: {  	_ =	sfence.sel $0x180000  }
0x20: {  	[bflag:$0x0] =	sbarrier.arrive $0xFFFF  }
0x21: {  	p0 =	sne.s32 s0, $0x0;
	_ =	strace $0x90000047  }
0x22: {  	s0 =	sadd.s32 @!p0 $0x100000, s1;
	[bflag:$0x2] =	sbarrier.arrive $0xFFFF  }
0x23: {  	[sflag:s0] =	ssyncadd.tile.s32 @!p0 $0x1;
	_ =	shalt  }
.Lfunc_end2:
_tile_overlayer_lowered:
.L_overlay_start_2:
0x24: {  	(tag) =	ssettag $0x2  }
0x25: {  	s0 =	rddreg [dreg:$0x0];
	s2 =	stileid.u32  }
0x26: {  	s1 =	rddreg [dreg:$0x1];
	p0 =	sne.s32 s2, $0x0  }
0x27: {  	s3 =	rddreg [dreg:$0x2];
	[bflag:$0x3] =	sbarrier.arrive $0xFFFF;
	s2 =	simm.s32 @!p0 $0x1C02  }
0x28: {  	[timem:s3], [sflag:s2] =	dma.local @!p0 [hbm:s0], s1  }
0x29: {  	s0 =	simm.s32 @!p0 $0x2  }
0x2a: {  	_ =	swait.ge @!p0 [sflag:s0], s1  }
0x2b: {  	s1 =	ssub.s32 @!p0 $0x0, s1;
	[sflag:s0] =	ssyncset.done @!p0 $0x0  }
0x2c: {  	[sflag:s0] =	ssyncadd.s32 @!p0 s1  }
0x2d: {  	[bflag:$0x3] =	sbarrier.arrive $0xFFFF  }
0x2e: {  	_ =	shalt  }

</sc_bundles>
